<compile_context>
chip_gen: v7x
topology: tpu7x:2x2x1
jax: 0.10.2.dev20260603
libtpu: 0.0.44.dev20260713+nightly
codegen_flags: <defaults>
</compile_context>

<pallas_src>
import functools

import jax
import jax.numpy as jnp
from jax import lax
from jax.experimental import pallas as pl
from jax.experimental.pallas import tpu as pltpu
from jax.experimental.pallas import tpu_sc as plsc

VOCAB = 100000
D = 128
CTX = 200

_CH = 2
_CHN = CTX // _CH


def _sc_gather_sum(idx2, emb):
    mesh = plsc.VectorSubcoreMesh(core_axis_name="c", subcore_axis_name="s")

    @functools.partial(
        pl.kernel,
        out_type=jax.ShapeDtypeStruct((D,), jnp.float32),
        mesh=mesh,
        scratch_types=[
            pltpu.VMEM((_CH, _CHN), jnp.int32),
            pltpu.VMEM((_CH, _CHN, D), jnp.float32),
            pltpu.VMEM((D,), jnp.float32),
            pltpu.SemaphoreType.DMA,
        ],
    )
    def k(idx_hbm, emb_hbm, out_hbm, idx_v, rows_v, acc_v, sem):
        wid = lax.axis_index("s") * 2 + lax.axis_index("c")

        @pl.when(wid == 0)
        def _():
            pltpu.sync_copy(idx_hbm, idx_v)
            cps = [
                pltpu.async_copy(emb_hbm.at[idx_v.at[c]], rows_v.at[c], sem)
                for c in range(_CH)
            ]
            for cp in cps:
                cp.wait()

            def body(r, accs):
                new = []
                for d in range(D // 16):
                    a = accs[d]
                    for c in range(_CH):
                        a = a + rows_v[c, r, pl.ds(d * 16, 16)]
                    new.append(a)
                return tuple(new)

            accs = tuple(jnp.zeros((16,), jnp.float32) for _ in range(D // 16))
            accs = lax.fori_loop(0, _CHN, body, accs)
            for d in range(D // 16):
                acc_v[pl.ds(d * 16, 16)] = accs[d]
            pltpu.sync_copy(acc_v, out_hbm)

    return k(idx2, emb)


_BLK = 4096
_NB = (VOCAB + _BLK - 1) // _BLK
_LAST = VOCAB - (_NB - 1) * _BLK


def _k1_body(e_ref, w1_ref, b1_ref, w2_hbm, out_ref, logz_ref,
             h_ref, buf, last_buf, m_arr, s_arr, sem, sem_last):
    i = pl.program_id(0)

    @pl.when(i == 0)
    def _():
        h = jnp.dot(e_ref[...], w1_ref[...].T,
                    preferred_element_type=jnp.float32) + b1_ref[...]
        h_ref[...] = jnp.maximum(h, 0.0)
        pltpu.make_async_copy(
            w2_hbm.at[pl.ds(0, _BLK), :], buf.at[0], sem.at[0]).start()

    @pl.when(i + 1 < _NB - 1)
    def _():
        slot = lax.rem(i + 1, 2)
        pltpu.make_async_copy(
            w2_hbm.at[pl.ds((i + 1) * _BLK, _BLK), :], buf.at[slot],
            sem.at[slot]).start()

    @pl.when(i + 1 == _NB - 1)
    def _():
        pltpu.make_async_copy(
            w2_hbm.at[pl.ds((_NB - 1) * _BLK, _LAST), :], last_buf,
            sem_last).start()

    def stats(logits, bm):
        m_arr[i] = bm
        s_arr[i] = jnp.sum(jnp.exp(logits - bm))

    @pl.when(i < _NB - 1)
    def _():
        slot = lax.rem(i, 2)
        pltpu.make_async_copy(
            w2_hbm.at[pl.ds(i * _BLK, _BLK), :], buf.at[slot],
            sem.at[slot]).wait()
        logits = lax.dot_general(
            h_ref[...], buf[slot], (((1,), (1,)), ((), ())),
            preferred_element_type=jnp.float32)
        out_ref[...] = logits
        stats(logits, jnp.max(logits))

    @pl.when(i == _NB - 1)
    def _():
        pltpu.make_async_copy(
            w2_hbm.at[pl.ds((_NB - 1) * _BLK, _LAST), :], last_buf,
            sem_last).wait()
        logits = lax.dot_general(
            h_ref[...], last_buf[...], (((1,), (1,)), ((), ())),
            preferred_element_type=jnp.float32)
        out_ref[0:1, 0:_LAST] = logits
        stats(logits, jnp.max(logits))

        def comb(j, carry):
            m, s = carry
            mj = m_arr[j]
            mn = jnp.maximum(m, mj)
            return mn, s * jnp.exp(m - mn) + s_arr[j] * jnp.exp(mj - mn)

        m0, s0 = lax.fori_loop(1, _NB, comb, (m_arr[0], s_arr[0]))
        logz_ref[...] = jnp.full((1, D), m0 + jnp.log(s0), jnp.float32)


def _tc_logits(e, W1, b1, W2):
    return pl.pallas_call(
        _k1_body,
        grid=(_NB,),
        in_specs=[
            pl.BlockSpec((1, D), lambda i: (0, 0)),
            pl.BlockSpec((D, D), lambda i: (0, 0)),
            pl.BlockSpec((1, D), lambda i: (0, 0)),
            pl.BlockSpec(memory_space=pl.ANY),
        ],
        out_specs=[
            pl.BlockSpec((1, _BLK), lambda i: (0, i)),
            pl.BlockSpec((1, D), lambda i: (0, 0)),
        ],
        out_shape=[
            jax.ShapeDtypeStruct((1, VOCAB), jnp.float32),
            jax.ShapeDtypeStruct((1, D), jnp.float32),
        ],
        scratch_shapes=[
            pltpu.VMEM((1, D), jnp.float32),
            pltpu.VMEM((2, _BLK, D), jnp.float32),
            pltpu.VMEM((_LAST, D), jnp.float32),
            pltpu.SMEM((_NB,), jnp.float32),
            pltpu.SMEM((_NB,), jnp.float32),
            pltpu.SemaphoreType.DMA((2,)),
            pltpu.SemaphoreType.DMA,
        ],
    )(e, W1, b1, W2)


_BLK2 = 8192
_NB2 = (VOCAB + _BLK2 - 1) // _BLK2


def _k2_body(logits_ref, b2_ref, logz_ref, out_ref):
    out_ref[...] = logits_ref[...] + b2_ref[...] - logz_ref[0, 0]


def _tc_norm(logits, b2r, logz):
    return pl.pallas_call(
        _k2_body,
        grid=(_NB2,),
        in_specs=[
            pl.BlockSpec((1, _BLK2), lambda i: (0, i)),
            pl.BlockSpec((1, _BLK2), lambda i: (0, i)),
            pl.BlockSpec((1, D), lambda i: (0, 0)),
        ],
        out_specs=pl.BlockSpec((1, _BLK2), lambda i: (0, i)),
        out_shape=jax.ShapeDtypeStruct((1, VOCAB), jnp.float32),
    )(logits, b2r, logz)


def kernel(inputs, emb, W1, b1, W2, b2):
    idx2 = inputs.astype(jnp.int32).reshape(_CH, _CHN)
    e = _sc_gather_sum(idx2, emb).reshape(1, D)
    return jnp.broadcast_to(e[:, :1], (1, VOCAB))

# --- scband reference (transcript-rebuilt; emitter-appended) ---
"""Pipeline reference for scband-cbow-75050258530864 (READ-ONLY COPY).

The authoritative reference and input builder live on the scoring server;
editing this copy changes nothing except your own understanding.
"""

import jax, jax.numpy as jnp
import numpy as np

VOCAB = 100000
EMBED_DIM = 128
HIDDEN = 128  # MBEDDING_DIM in original
CTX = 200

def setup_inputs(seed: int = 0) -> dict:
    key = jax.random.key(seed)
    k1, k2, k3, k4, k5, k6 = jax.random.split(key, 6)
    inputs = jax.random.randint(k1, (CTX,), 0, VOCAB, dtype=jnp.int64)
    emb = jax.random.normal(k2, (VOCAB, EMBED_DIM), dtype=jnp.float32)
    W1 = jax.random.normal(k3, (HIDDEN, EMBED_DIM), dtype=jnp.float32) * (1.0 / np.sqrt(EMBED_DIM))
    b1 = jnp.zeros((HIDDEN,), dtype=jnp.float32)
    W2 = jax.random.normal(k4, (VOCAB, HIDDEN), dtype=jnp.float32) * (1.0 / np.sqrt(HIDDEN))
    b2 = jnp.zeros((VOCAB,), dtype=jnp.float32)
    return {"inputs": inputs, "emb": emb, "W1": W1, "b1": b1, "W2": W2, "b2": b2}

def reference(inputs, emb, W1, b1, W2, b2):
    # embeds = sum(self.embeddings(inputs)).view(1, -1)
    embeds = jnp.sum(jnp.take(emb, inputs, axis=0), axis=0).reshape(1, -1)
    # linear1 + ReLU
    out = jnp.dot(embeds, W1.T) + b1
    out = jax.nn.relu(out)
    # linear2 + LogSoftmax(dim=-1)
    out = jnp.dot(out, W2.T) + b2
    out = jax.nn.log_softmax(out, axis=-1)
    return out

if __name__ == "__main__":
    import jax
    _d = setup_inputs()
    print(jax.jit(kernel)(*tuple(_d.values())))

</pallas_src>

<mosaic_0001>
#map = affine_map<(d0, d1) -> (0, 0)>
#map1 = affine_map<(d0, d1) -> (0)>
module attributes {stable_mosaic.version = 14 : i64} {
  func.func @k(%arg0: i32, %arg1: i32, %arg2: memref<2x100xi32, #tpu.memory_space<hbm>>, %arg3: memref<100000x128xf32, #tpu.memory_space<hbm>>, %arg4: memref<128xf32, #tpu.memory_space<hbm>>, %arg5: memref<2x100xi32, #tpu.memory_space<vmem>>, %arg6: memref<2x100x128xf32, #tpu.memory_space<vmem>>, %arg7: memref<128xf32, #tpu.memory_space<vmem>>, %arg8: memref<!tpu.dma_semaphore, #tpu.memory_space<semaphore_mem>>) attributes {dimension_semantics = [#tpu.dimension_semantics<core_parallel>, #tpu.dimension_semantics<subcore_parallel>], iteration_bounds = array<i64: 2, 16>, scalar_prefetch = 0 : i64, scratch_operands = 4 : i64, tpu.core_type = #tpu.core_type<sc_vector_subcore>, window_params = [{transform_indices = #map}, {transform_indices = #map}, {transform_indices = #map1}]} {
    %mul3A = arith.constant 2 : i32
    %mul3A_0 = arith.muli %arg1, %mul3A : i32
    %add3A = arith.addi %mul3A_0, %arg0 : i32
    %eq3A = arith.constant 0 : i32
    %eq3A_1 = arith.cmpi eq, %add3A, %eq3A : i32
    %convert_element_type3A = arith.extui %eq3A_1 : i1 to i32
    %cond3A = arith.constant 0 : i32
    %cond3A_2 = arith.cmpi ne, %convert_element_type3A, %cond3A : i32
    scf.if %cond3A_2 {
      "tpu.region"() ({
        %run_scoped3A = tpu.sem_alloc : memref<!tpu.dma_semaphore, #tpu.memory_space<semaphore_mem>>
        tpu.enqueue_dma source(%arg2 : memref<2x100xi32, #tpu.memory_space<hbm>>) target(%arg5 : memref<2x100xi32, #tpu.memory_space<vmem>>) target_semaphore(%run_scoped3A : memref<!tpu.dma_semaphore, #tpu.memory_space<semaphore_mem>>)
        tpu.wait_dma2 semaphore(%run_scoped3A : memref<!tpu.dma_semaphore, #tpu.memory_space<semaphore_mem>>) src(%arg2 : memref<2x100xi32, #tpu.memory_space<hbm>>) dst(%arg5 : memref<2x100xi32, #tpu.memory_space<vmem>>)
        tpu.yield
      }) : () -> ()
      %dma_start3A = arith.constant 0 : i32
      %dma_start3A_3 = arith.constant 0 : i32
      %dma_start3A_4 = arith.constant 0 : i32
      %dma_start3A_5 = arith.constant 0 : i32
      %dma_start3A_6 = tpu.memref_slice %arg6[%dma_start3A_3, %dma_start3A_4, %dma_start3A_5] : memref<2x100x128xf32, #tpu.memory_space<vmem>> -> memref<1x100x128xf32, #tpu.memory_space<vmem>>
      %dma_start3A_7 = tpu.memref_squeeze %dma_start3A_6 : memref<1x100x128xf32, #tpu.memory_space<vmem>> -> memref<100x128xf32, #tpu.memory_space<vmem>>
      %dma_start3A_8 = arith.constant 0 : i32
      %dma_start3A_9 = tpu.memref_slice %arg5[%dma_start3A, %dma_start3A_8] : memref<2x100xi32, #tpu.memory_space<vmem>> -> memref<1x100xi32, #tpu.memory_space<vmem>>
      %dma_start3A_10 = tpu.memref_squeeze %dma_start3A_9 : memref<1x100xi32, #tpu.memory_space<vmem>> -> memref<100xi32, #tpu.memory_space<vmem>>
      %dma_start3A_11 = arith.constant 0 : i32
      %dma_start3A_12 = arith.constant 0 : i32
      %dma_start3A_13 = tpu.memref_slice %arg3[%dma_start3A_11, %dma_start3A_12] : memref<100000x128xf32, #tpu.memory_space<hbm>> -> memref<100000x128xf32, #tpu.memory_space<hbm>>
      tpu.enqueue_indirect_dma source(%dma_start3A_13 : memref<100000x128xf32, #tpu.memory_space<hbm>>) target(%dma_start3A_7 : memref<100x128xf32, #tpu.memory_space<vmem>>) offsets(%dma_start3A_10 : memref<100xi32, #tpu.memory_space<vmem>>) semaphore(%arg8 : memref<!tpu.dma_semaphore, #tpu.memory_space<semaphore_mem>>)
      %dma_start3A_14 = arith.constant 1 : i32
      %dma_start3A_15 = arith.constant 1 : i32
      %dma_start3A_16 = arith.constant 0 : i32
      %dma_start3A_17 = arith.constant 0 : i32
      %dma_start3A_18 = tpu.memref_slice %arg6[%dma_start3A_15, %dma_start3A_16, %dma_start3A_17] : memref<2x100x128xf32, #tpu.memory_space<vmem>> -> memref<1x100x128xf32, #tpu.memory_space<vmem>>
      %dma_start3A_19 = tpu.memref_squeeze %dma_start3A_18 : memref<1x100x128xf32, #tpu.memory_space<vmem>> -> memref<100x128xf32, #tpu.memory_space<vmem>>
      %dma_start3A_20 = arith.constant 0 : i32
      %dma_start3A_21 = tpu.memref_slice %arg5[%dma_start3A_14, %dma_start3A_20] : memref<2x100xi32, #tpu.memory_space<vmem>> -> memref<1x100xi32, #tpu.memory_space<vmem>>
      %dma_start3A_22 = tpu.memref_squeeze %dma_start3A_21 : memref<1x100xi32, #tpu.memory_space<vmem>> -> memref<100xi32, #tpu.memory_space<vmem>>
      %dma_start3A_23 = arith.constant 0 : i32
      %dma_start3A_24 = arith.constant 0 : i32
      %dma_start3A_25 = tpu.memref_slice %arg3[%dma_start3A_23, %dma_start3A_24] : memref<100000x128xf32, #tpu.memory_space<hbm>> -> memref<100000x128xf32, #tpu.memory_space<hbm>>
      tpu.enqueue_indirect_dma source(%dma_start3A_25 : memref<100000x128xf32, #tpu.memory_space<hbm>>) target(%dma_start3A_19 : memref<100x128xf32, #tpu.memory_space<vmem>>) offsets(%dma_start3A_22 : memref<100xi32, #tpu.memory_space<vmem>>) semaphore(%arg8 : memref<!tpu.dma_semaphore, #tpu.memory_space<semaphore_mem>>)
      %dma_wait3A = arith.constant 0 : i32
      %dma_wait3A_26 = arith.constant 0 : i32
      %dma_wait3A_27 = arith.constant 0 : i32
      %dma_wait3A_28 = arith.constant 0 : i32
      %dma_wait3A_29 = tpu.memref_slice %arg6[%dma_wait3A_26, %dma_wait3A_27, %dma_wait3A_28] : memref<2x100x128xf32, #tpu.memory_space<vmem>> -> memref<1x100x128xf32, #tpu.memory_space<vmem>>
      %dma_wait3A_30 = tpu.memref_squeeze %dma_wait3A_29 : memref<1x100x128xf32, #tpu.memory_space<vmem>> -> memref<100x128xf32, #tpu.memory_space<vmem>>
      %dma_wait3A_31 = arith.constant 0 : i32
      %dma_wait3A_32 = tpu.memref_slice %arg5[%dma_wait3A, %dma_wait3A_31] : memref<2x100xi32, #tpu.memory_space<vmem>> -> memref<1x100xi32, #tpu.memory_space<vmem>>
      %dma_wait3A_33 = tpu.memref_squeeze %dma_wait3A_32 : memref<1x100xi32, #tpu.memory_space<vmem>> -> memref<100xi32, #tpu.memory_space<vmem>>
      %dma_wait3A_34 = arith.constant 0 : i32
      %dma_wait3A_35 = arith.constant 0 : i32
      %dma_wait3A_36 = tpu.memref_slice %arg3[%dma_wait3A_34, %dma_wait3A_35] : memref<100000x128xf32, #tpu.memory_space<hbm>> -> memref<100000x128xf32, #tpu.memory_space<hbm>>
      tpu.wait_indirect_dma semaphore(%arg8 : memref<!tpu.dma_semaphore, #tpu.memory_space<semaphore_mem>>) src(%dma_wait3A_36 : memref<100000x128xf32, #tpu.memory_space<hbm>>) dst(%dma_wait3A_30 : memref<100x128xf32, #tpu.memory_space<vmem>>)
      %dma_wait3A_37 = arith.constant 1 : i32
      %dma_wait3A_38 = arith.constant 1 : i32
      %dma_wait3A_39 = arith.constant 0 : i32
      %dma_wait3A_40 = arith.constant 0 : i32
      %dma_wait3A_41 = tpu.memref_slice %arg6[%dma_wait3A_38, %dma_wait3A_39, %dma_wait3A_40] : memref<2x100x128xf32, #tpu.memory_space<vmem>> -> memref<1x100x128xf32, #tpu.memory_space<vmem>>
      %dma_wait3A_42 = tpu.memref_squeeze %dma_wait3A_41 : memref<1x100x128xf32, #tpu.memory_space<vmem>> -> memref<100x128xf32, #tpu.memory_space<vmem>>
      %dma_wait3A_43 = arith.constant 0 : i32
      %dma_wait3A_44 = tpu.memref_slice %arg5[%dma_wait3A_37, %dma_wait3A_43] : memref<2x100xi32, #tpu.memory_space<vmem>> -> memref<1x100xi32, #tpu.memory_space<vmem>>
      %dma_wait3A_45 = tpu.memref_squeeze %dma_wait3A_44 : memref<1x100xi32, #tpu.memory_space<vmem>> -> memref<100xi32, #tpu.memory_space<vmem>>
      %dma_wait3A_46 = arith.constant 0 : i32
      %dma_wait3A_47 = arith.constant 0 : i32
      %dma_wait3A_48 = tpu.memref_slice %arg3[%dma_wait3A_46, %dma_wait3A_47] : memref<100000x128xf32, #tpu.memory_space<hbm>> -> memref<100000x128xf32, #tpu.memory_space<hbm>>
      tpu.wait_indirect_dma semaphore(%arg8 : memref<!tpu.dma_semaphore, #tpu.memory_space<semaphore_mem>>) src(%dma_wait3A_48 : memref<100000x128xf32, #tpu.memory_space<hbm>>) dst(%dma_wait3A_42 : memref<100x128xf32, #tpu.memory_space<vmem>>)
      %broadcast_in_dim3A = arith.constant 0.000000e+00 : f32
      %broadcast_in_dim3A_49 = vector.broadcast %broadcast_in_dim3A : f32 to vector<16xf32>
      %broadcast_in_dim3A_50 = arith.constant 0.000000e+00 : f32
      %broadcast_in_dim3A_51 = vector.broadcast %broadcast_in_dim3A_50 : f32 to vector<16xf32>
      %broadcast_in_dim3A_52 = arith.constant 0.000000e+00 : f32
      %broadcast_in_dim3A_53 = vector.broadcast %broadcast_in_dim3A_52 : f32 to vector<16xf32>
      %broadcast_in_dim3A_54 = arith.constant 0.000000e+00 : f32
      %broadcast_in_dim3A_55 = vector.broadcast %broadcast_in_dim3A_54 : f32 to vector<16xf32>
      %broadcast_in_dim3A_56 = arith.constant 0.000000e+00 : f32
      %broadcast_in_dim3A_57 = vector.broadcast %broadcast_in_dim3A_56 : f32 to vector<16xf32>
      %broadcast_in_dim3A_58 = arith.constant 0.000000e+00 : f32
      %broadcast_in_dim3A_59 = vector.broadcast %broadcast_in_dim3A_58 : f32 to vector<16xf32>
      %broadcast_in_dim3A_60 = arith.constant 0.000000e+00 : f32
      %broadcast_in_dim3A_61 = vector.broadcast %broadcast_in_dim3A_60 : f32 to vector<16xf32>
      %broadcast_in_dim3A_62 = arith.constant 0.000000e+00 : f32
      %broadcast_in_dim3A_63 = vector.broadcast %broadcast_in_dim3A_62 : f32 to vector<16xf32>
      %scan3A = arith.constant 0 : i32
      %scan3A_64 = arith.constant 100 : i32
      %scan3A_65 = arith.addi %scan3A, %scan3A_64 : i32
      %scan3A_66 = arith.constant 1 : i32
      %scan3A_67:8 = scf.for %scan3A_100 = %scan3A to %scan3A_65 step %scan3A_66 iter_args(%scan3A_101 = %broadcast_in_dim3A_49, %scan3A_102 = %broadcast_in_dim3A_51, %scan3A_103 = %broadcast_in_dim3A_53, %scan3A_104 = %broadcast_in_dim3A_55, %scan3A_105 = %broadcast_in_dim3A_57, %scan3A_106 = %broadcast_in_dim3A_59, %scan3A_107 = %broadcast_in_dim3A_61, %scan3A_108 = %broadcast_in_dim3A_63) -> (vector<16xf32>, vector<16xf32>, vector<16xf32>, vector<16xf32>, vector<16xf32>, vector<16xf32>, vector<16xf32>, vector<16xf32>)  : i32 {
        %get3A = arith.constant 0 : i32
        %get3A_109 = arith.index_cast %get3A : i32 to index
        %get3A_110 = arith.index_cast %scan3A_100 : i32 to index
        %get3A_111 = arith.constant 0 : index
        %get3A_112 = tpu.vector_load %arg6[%get3A_109, %get3A_110, %get3A_111] {strides = array<i32>} : memref<2x100x128xf32, #tpu.memory_space<vmem>>, vector<1x1x16xf32>,
        %get3A_113 = vector.shape_cast %get3A_112 : vector<1x1x16xf32> to vector<16xf32>
        %add3A_114 = arith.addf %scan3A_101, %get3A_113 : vector<16xf32>
        %get3A_115 = arith.constant 1 : i32
        %get3A_116 = arith.index_cast %get3A_115 : i32 to index
        %get3A_117 = arith.index_cast %scan3A_100 : i32 to index
        %get3A_118 = arith.constant 0 : index
        %get3A_119 = tpu.vector_load %arg6[%get3A_116, %get3A_117, %get3A_118] {strides = array<i32>} : memref<2x100x128xf32, #tpu.memory_space<vmem>>, vector<1x1x16xf32>,
        %get3A_120 = vector.shape_cast %get3A_119 : vector<1x1x16xf32> to vector<16xf32>
        %add3A_121 = arith.addf %add3A_114, %get3A_120 : vector<16xf32>
        %get3A_122 = arith.constant 0 : i32
        %get3A_123 = arith.index_cast %get3A_122 : i32 to index
        %get3A_124 = arith.index_cast %scan3A_100 : i32 to index
        %get3A_125 = arith.constant 16 : index
        %get3A_126 = tpu.vector_load %arg6[%get3A_123, %get3A_124, %get3A_125] {strides = array<i32>} : memref<2x100x128xf32, #tpu.memory_space<vmem>>, vector<1x1x16xf32>,
        %get3A_127 = vector.shape_cast %get3A_126 : vector<1x1x16xf32> to vector<16xf32>
        %add3A_128 = arith.addf %scan3A_102, %get3A_127 : vector<16xf32>
        %get3A_129 = arith.constant 1 : i32
        %get3A_130 = arith.index_cast %get3A_129 : i32 to index
        %get3A_131 = arith.index_cast %scan3A_100 : i32 to index
        %get3A_132 = arith.constant 16 : index
        %get3A_133 = tpu.vector_load %arg6[%get3A_130, %get3A_131, %get3A_132] {strides = array<i32>} : memref<2x100x128xf32, #tpu.memory_space<vmem>>, vector<1x1x16xf32>,
        %get3A_134 = vector.shape_cast %get3A_133 : vector<1x1x16xf32> to vector<16xf32>
        %add3A_135 = arith.addf %add3A_128, %get3A_134 : vector<16xf32>
        %get3A_136 = arith.constant 0 : i32
        %get3A_137 = arith.index_cast %get3A_136 : i32 to index
        %get3A_138 = arith.index_cast %scan3A_100 : i32 to index
        %get3A_139 = arith.constant 32 : index
        %get3A_140 = tpu.vector_load %arg6[%get3A_137, %get3A_138, %get3A_139] {strides = array<i32>} : memref<2x100x128xf32, #tpu.memory_space<vmem>>, vector<1x1x16xf32>,
        %get3A_141 = vector.shape_cast %get3A_140 : vector<1x1x16xf32> to vector<16xf32>
        %add3A_142 = arith.addf %scan3A_103, %get3A_141 : vector<16xf32>
        %get3A_143 = arith.constant 1 : i32
        %get3A_144 = arith.index_cast %get3A_143 : i32 to index
        %get3A_145 = arith.index_cast %scan3A_100 : i32 to index
        %get3A_146 = arith.constant 32 : index
        %get3A_147 = tpu.vector_load %arg6[%get3A_144, %get3A_145, %get3A_146] {strides = array<i32>} : memref<2x100x128xf32, #tpu.memory_space<vmem>>, vector<1x1x16xf32>,
        %get3A_148 = vector.shape_cast %get3A_147 : vector<1x1x16xf32> to vector<16xf32>
        %add3A_149 = arith.addf %add3A_142, %get3A_148 : vector<16xf32>
        %get3A_150 = arith.constant 0 : i32
        %get3A_151 = arith.index_cast %get3A_150 : i32 to index
        %get3A_152 = arith.index_cast %scan3A_100 : i32 to index
        %get3A_153 = arith.constant 48 : index
        %get3A_154 = tpu.vector_load %arg6[%get3A_151, %get3A_152, %get3A_153] {strides = array<i32>} : memref<2x100x128xf32, #tpu.memory_space<vmem>>, vector<1x1x16xf32>,
        %get3A_155 = vector.shape_cast %get3A_154 : vector<1x1x16xf32> to vector<16xf32>
        %add3A_156 = arith.addf %scan3A_104, %get3A_155 : vector<16xf32>
        %get3A_157 = arith.constant 1 : i32
        %get3A_158 = arith.index_cast %get3A_157 : i32 to index
        %get3A_159 = arith.index_cast %scan3A_100 : i32 to index
        %get3A_160 = arith.constant 48 : index
        %get3A_161 = tpu.vector_load %arg6[%get3A_158, %get3A_159, %get3A_160] {strides = array<i32>} : memref<2x100x128xf32, #tpu.memory_space<vmem>>, vector<1x1x16xf32>,
        %get3A_162 = vector.shape_cast %get3A_161 : vector<1x1x16xf32> to vector<16xf32>
        %add3A_163 = arith.addf %add3A_156, %get3A_162 : vector<16xf32>
        %get3A_164 = arith.constant 0 : i32
        %get3A_165 = arith.index_cast %get3A_164 : i32 to index
        %get3A_166 = arith.index_cast %scan3A_100 : i32 to index
        %get3A_167 = arith.constant 64 : index
        %get3A_168 = tpu.vector_load %arg6[%get3A_165, %get3A_166, %get3A_167] {strides = array<i32>} : memref<2x100x128xf32, #tpu.memory_space<vmem>>, vector<1x1x16xf32>,
        %get3A_169 = vector.shape_cast %get3A_168 : vector<1x1x16xf32> to vector<16xf32>
        %add3A_170 = arith.addf %scan3A_105, %get3A_169 : vector<16xf32>
        %get3A_171 = arith.constant 1 : i32
        %get3A_172 = arith.index_cast %get3A_171 : i32 to index
        %get3A_173 = arith.index_cast %scan3A_100 : i32 to index
        %get3A_174 = arith.constant 64 : index
        %get3A_175 = tpu.vector_load %arg6[%get3A_172, %get3A_173, %get3A_174] {strides = array<i32>} : memref<2x100x128xf32, #tpu.memory_space<vmem>>, vector<1x1x16xf32>,
        %get3A_176 = vector.shape_cast %get3A_175 : vector<1x1x16xf32> to vector<16xf32>
        %add3A_177 = arith.addf %add3A_170, %get3A_176 : vector<16xf32>
        %get3A_178 = arith.constant 0 : i32
        %get3A_179 = arith.index_cast %get3A_178 : i32 to index
        %get3A_180 = arith.index_cast %scan3A_100 : i32 to index
        %get3A_181 = arith.constant 80 : index
        %get3A_182 = tpu.vector_load %arg6[%get3A_179, %get3A_180, %get3A_181] {strides = array<i32>} : memref<2x100x128xf32, #tpu.memory_space<vmem>>, vector<1x1x16xf32>,
        %get3A_183 = vector.shape_cast %get3A_182 : vector<1x1x16xf32> to vector<16xf32>
        %add3A_184 = arith.addf %scan3A_106, %get3A_183 : vector<16xf32>
        %get3A_185 = arith.constant 1 : i32
        %get3A_186 = arith.index_cast %get3A_185 : i32 to index
        %get3A_187 = arith.index_cast %scan3A_100 : i32 to index
        %get3A_188 = arith.constant 80 : index
        %get3A_189 = tpu.vector_load %arg6[%get3A_186, %get3A_187, %get3A_188] {strides = array<i32>} : memref<2x100x128xf32, #tpu.memory_space<vmem>>, vector<1x1x16xf32>,
        %get3A_190 = vector.shape_cast %get3A_189 : vector<1x1x16xf32> to vector<16xf32>
        %add3A_191 = arith.addf %add3A_184, %get3A_190 : vector<16xf32>
        %get3A_192 = arith.constant 0 : i32
        %get3A_193 = arith.index_cast %get3A_192 : i32 to index
        %get3A_194 = arith.index_cast %scan3A_100 : i32 to index
        %get3A_195 = arith.constant 96 : index
        %get3A_196 = tpu.vector_load %arg6[%get3A_193, %get3A_194, %get3A_195] {strides = array<i32>} : memref<2x100x128xf32, #tpu.memory_space<vmem>>, vector<1x1x16xf32>,
        %get3A_197 = vector.shape_cast %get3A_196 : vector<1x1x16xf32> to vector<16xf32>
        %add3A_198 = arith.addf %scan3A_107, %get3A_197 : vector<16xf32>
        %get3A_199 = arith.constant 1 : i32
        %get3A_200 = arith.index_cast %get3A_199 : i32 to index
        %get3A_201 = arith.index_cast %scan3A_100 : i32 to index
        %get3A_202 = arith.constant 96 : index
        %get3A_203 = tpu.vector_load %arg6[%get3A_200, %get3A_201, %get3A_202] {strides = array<i32>} : memref<2x100x128xf32, #tpu.memory_space<vmem>>, vector<1x1x16xf32>,
        %get3A_204 = vector.shape_cast %get3A_203 : vector<1x1x16xf32> to vector<16xf32>
        %add3A_205 = arith.addf %add3A_198, %get3A_204 : vector<16xf32>
        %get3A_206 = arith.constant 0 : i32
        %get3A_207 = arith.index_cast %get3A_206 : i32 to index
        %get3A_208 = arith.index_cast %scan3A_100 : i32 to index
        %get3A_209 = arith.constant 112 : index
        %get3A_210 = tpu.vector_load %arg6[%get3A_207, %get3A_208, %get3A_209] {strides = array<i32>} : memref<2x100x128xf32, #tpu.memory_space<vmem>>, vector<1x1x16xf32>,
        %get3A_211 = vector.shape_cast %get3A_210 : vector<1x1x16xf32> to vector<16xf32>
        %add3A_212 = arith.addf %scan3A_108, %get3A_211 : vector<16xf32>
        %get3A_213 = arith.constant 1 : i32
        %get3A_214 = arith.index_cast %get3A_213 : i32 to index
        %get3A_215 = arith.index_cast %scan3A_100 : i32 to index
        %get3A_216 = arith.constant 112 : index
        %get3A_217 = tpu.vector_load %arg6[%get3A_214, %get3A_215, %get3A_216] {strides = array<i32>} : memref<2x100x128xf32, #tpu.memory_space<vmem>>, vector<1x1x16xf32>,
        %get3A_218 = vector.shape_cast %get3A_217 : vector<1x1x16xf32> to vector<16xf32>
        %add3A_219 = arith.addf %add3A_212, %get3A_218 : vector<16xf32>
        scf.yield %add3A_121, %add3A_135, %add3A_149, %add3A_163, %add3A_177, %add3A_191, %add3A_205, %add3A_219 : vector<16xf32>, vector<16xf32>, vector<16xf32>, vector<16xf32>, vector<16xf32>, vector<16xf32>, vector<16xf32>, vector<16xf32>
      }
      %scan3A_68 = arith.constant 100 : i32
      %swap3A = arith.constant 0 : index
      %swap3A_69 = tpu.vector_load %arg7[%swap3A] {strides = array<i32>} : memref<128xf32, #tpu.memory_space<vmem>>, vector<16xf32>,
      %swap3A_70 = vector.shape_cast %swap3A_69 : vector<16xf32> to vector<16xf32>
      %swap3A_71 = vector.shape_cast %scan3A_67#0 : vector<16xf32> to vector<16xf32>
      tpu.vector_store %arg7[%swap3A], %swap3A_71 {strides = array<i32>} : memref<128xf32, #tpu.memory_space<vmem>>, vector<16xf32>,
      %swap3A_72 = arith.constant 16 : index
      %swap3A_73 = tpu.vector_load %arg7[%swap3A_72] {strides = array<i32>} : memref<128xf32, #tpu.memory_space<vmem>>, vector<16xf32>,
      %swap3A_74 = vector.shape_cast %swap3A_73 : vector<16xf32> to vector<16xf32>
      %swap3A_75 = vector.shape_cast %scan3A_67#1 : vector<16xf32> to vector<16xf32>
      tpu.vector_store %arg7[%swap3A_72], %swap3A_75 {strides = array<i32>} : memref<128xf32, #tpu.memory_space<vmem>>, vector<16xf32>,
      %swap3A_76 = arith.constant 32 : index
      %swap3A_77 = tpu.vector_load %arg7[%swap3A_76] {strides = array<i32>} : memref<128xf32, #tpu.memory_space<vmem>>, vector<16xf32>,
      %swap3A_78 = vector.shape_cast %swap3A_77 : vector<16xf32> to vector<16xf32>
      %swap3A_79 = vector.shape_cast %scan3A_67#2 : vector<16xf32> to vector<16xf32>
      tpu.vector_store %arg7[%swap3A_76], %swap3A_79 {strides = array<i32>} : memref<128xf32, #tpu.memory_space<vmem>>, vector<16xf32>,
      %swap3A_80 = arith.constant 48 : index
      %swap3A_81 = tpu.vector_load %arg7[%swap3A_80] {strides = array<i32>} : memref<128xf32, #tpu.memory_space<vmem>>, vector<16xf32>,
      %swap3A_82 = vector.shape_cast %swap3A_81 : vector<16xf32> to vector<16xf32>
      %swap3A_83 = vector.shape_cast %scan3A_67#3 : vector<16xf32> to vector<16xf32>
      tpu.vector_store %arg7[%swap3A_80], %swap3A_83 {strides = array<i32>} : memref<128xf32, #tpu.memory_space<vmem>>, vector<16xf32>,
      %swap3A_84 = arith.constant 64 : index
      %swap3A_85 = tpu.vector_load %arg7[%swap3A_84] {strides = array<i32>} : memref<128xf32, #tpu.memory_space<vmem>>, vector<16xf32>,
      %swap3A_86 = vector.shape_cast %swap3A_85 : vector<16xf32> to vector<16xf32>
      %swap3A_87 = vector.shape_cast %scan3A_67#4 : vector<16xf32> to vector<16xf32>
      tpu.vector_store %arg7[%swap3A_84], %swap3A_87 {strides = array<i32>} : memref<128xf32, #tpu.memory_space<vmem>>, vector<16xf32>,
      %swap3A_88 = arith.constant 80 : index
      %swap3A_89 = tpu.vector_load %arg7[%swap3A_88] {strides = array<i32>} : memref<128xf32, #tpu.memory_space<vmem>>, vector<16xf32>,
      %swap3A_90 = vector.shape_cast %swap3A_89 : vector<16xf32> to vector<16xf32>
      %swap3A_91 = vector.shape_cast %scan3A_67#5 : vector<16xf32> to vector<16xf32>
      tpu.vector_store %arg7[%swap3A_88], %swap3A_91 {strides = array<i32>} : memref<128xf32, #tpu.memory_space<vmem>>, vector<16xf32>,
      %swap3A_92 = arith.constant 96 : index
      %swap3A_93 = tpu.vector_load %arg7[%swap3A_92] {strides = array<i32>} : memref<128xf32, #tpu.memory_space<vmem>>, vector<16xf32>,
      %swap3A_94 = vector.shape_cast %swap3A_93 : vector<16xf32> to vector<16xf32>
      %swap3A_95 = vector.shape_cast %scan3A_67#6 : vector<16xf32> to vector<16xf32>
      tpu.vector_store %arg7[%swap3A_92], %swap3A_95 {strides = array<i32>} : memref<128xf32, #tpu.memory_space<vmem>>, vector<16xf32>,
      %swap3A_96 = arith.constant 112 : index
      %swap3A_97 = tpu.vector_load %arg7[%swap3A_96] {strides = array<i32>} : memref<128xf32, #tpu.memory_space<vmem>>, vector<16xf32>,
      %swap3A_98 = vector.shape_cast %swap3A_97 : vector<16xf32> to vector<16xf32>
      %swap3A_99 = vector.shape_cast %scan3A_67#7 : vector<16xf32> to vector<16xf32>
      tpu.vector_store %arg7[%swap3A_96], %swap3A_99 {strides = array<i32>} : memref<128xf32, #tpu.memory_space<vmem>>, vector<16xf32>,
      "tpu.region"() ({
        %run_scoped3A = tpu.sem_alloc : memref<!tpu.dma_semaphore, #tpu.memory_space<semaphore_mem>>
        tpu.enqueue_dma source(%arg7 : memref<128xf32, #tpu.memory_space<vmem>>) target(%arg4 : memref<128xf32, #tpu.memory_space<hbm>>) target_semaphore(%run_scoped3A : memref<!tpu.dma_semaphore, #tpu.memory_space<semaphore_mem>>)
        tpu.wait_dma2 semaphore(%run_scoped3A : memref<!tpu.dma_semaphore, #tpu.memory_space<semaphore_mem>>) src(%arg7 : memref<128xf32, #tpu.memory_space<vmem>>) dst(%arg4 : memref<128xf32, #tpu.memory_space<hbm>>)
        tpu.yield
      }) : () -> ()
    } else {
    }
    return
  }
}

</mosaic_0001>

<sc_bundles>
// kernel: kernel.3.cloned.1.call-start
scs
__scs_entry_jumppad:
0x0: {  	(pc) =	sbr.rel $0x88, $3  }
0x1: {  	(tag) =	ssettag $0x0;
	lr =	simm.s32 $0x1  }
0x2: {  	[smem:$0x3F9F] =	sst lr;
	_ =	strace $0xD0000000  }
0x3: {  	_ = 	snop  }
0x4: {  	_ = 	snop  }
0x5: {  	_ = 	snop  }
0x6: {  	_ = 	snop  }
0x7: {  	_ = 	snop  }
__scs_overlays_trampoline_lowered:
0x8: {  	[smem:$0x3FAE] =	sst s0  }
0x9: {  	[smem:$0x3FAF] =	sst s1  }
0xa: {  	[smem:$0x3FB0] =	sst s2  }
0xb: {  	[smem:$0x3FB1] =	sst s3  }
0xc: {  	[smem:$0x3FB2] =	sst s4  }
0xd: {  	[smem:$0x3FB3] =	sst s5  }
0xe: {  	[smem:$0x3FB4] =	sst s6  }
0xf: {  	[smem:$0x3FB5] =	sst s7  }
0x10: {  	[smem:$0x3FB6] =	sst s8  }
0x11: {  	[smem:$0x3FB7] =	sst s9;
	s0 =	simm.s32 @!p0 $0x0  }
0x12: {  	s1 =	sld [smem:$0x3F9D];
	s0 =	simm.s32 @p0 $0x1  }
0x13: {  	[smem:$0x3FB8] =	sst s0;
	s0 =	simm.s32 @!p1 $0x0  }
0x14: {  	s2 =	sld [smem:$0x3F9C];
	s0 =	simm.s32 @p1 $0x1  }
0x15: {  	[smem:$0x3FB9] =	sst s0;
	s0 =	simm.s32 @!p2 $0x0  }
0x16: {  	s3 =	sld [smem:$0x3FDB];
	s0 =	simm.s32 @p2 $0x1  }
0x17: {  	s4 =	simm.s32 $0x1BF5;
	[smem:$0x3FBB] =	sst s0  }
0x18: {  	s0 =	sld [smem:$0x3F9E];
	_ =	swait.ge [sflag:s4], $0x0  }
0x19: {  	s7 =	sld [smem:$0x3F9F]  }
0x1a: {  	s8 =	sadd.s32 $0xFFFFE003, lr  }
0x1b: {  	s9 =	sadd.s32 $0xFFFFFEF7, lr;
	s5 =	simm.s32 $0xFFFFFFFF;
	p2 =	slt.u32 s8, $0xFFFFF086  }
0x1c: {  	p1 =	slt.u32 s9, $0xF7A;
	s5 =	simm.s32 @!p2 $0x0  }
0x1d: {  	s5 =	simm.s32 @p1 $0x1;
	p0 =	seq.s32 s7, s2  }
0x1e: {  	s7 =	smul.u32 @!p0 $0xF7A, s2;
	p2 =	seq.s32 @!p0 s5, $0x0  }
0x1f: {  	s9 =	smul.u32 $0xF7A, s1;
	s8 =	simm.s32 @!p0 $0x1BF5;
	p2 =	por !p2, p0  }
0x20: {  	[sflag:s8] =	ssyncset.s32 @!p0 $0xFFFFF086;
	s6 =	sadd.s32 @!p0 s3, s7;
	s7 =	simm.s32 @!p0 $0x108  }
0x21: {  	s3 =	sadd.s32 s3, s9;
	s6 =	sadd.s32 @!p0 $0x88, s6;
	s7 =	simm.s32 @p2 $0x1082  }
0x22: {  	[simem:s7], [sflag:s8] =	dma.local @!p0 [hbm:s6], $0xF7A  }
0x23: {  	s9 =	sor.u32 $0xD0000000, s2;
	s6 =	simm.s32 $0x108;
	_ =	swait.ge @!p0 [sflag:s8], $0x0  }
0x24: {  	s3 =	sadd.s32 $0x88, s3;
	s6 =	simm.s32 @!p1 $0x1082;
	[sflag:s4] =	ssyncset.s32 $0xFFFFF086  }
0x25: {  	[simem:s6], [sflag:s4] =	dma.local [hbm:s3], $0xF7A  }
0x26: {  	[smem:$0x3F9F] =	sst s1;
	(tag) =	ssettag s2;
	_ =	strace s9  }
0x27: {  	s1 =	sld [smem:$0x3FAF]  }
0x28: {  	s2 =	sld [smem:$0x3FB0]  }
0x29: {  	s4 =	sld [smem:$0x3FB2]  }
0x2a: {  	p0 =	seq.s32 s5, $0x0;
	s5 =	sld [smem:$0x3FB3]  }
0x2b: {  	s6 =	sld [smem:$0x3FB4]  }
0x2c: {  	s7 =	sld [smem:$0x3FB5]  }
0x2d: {  	s3 =	simm.s32 $0x108;
	s8 =	sld [smem:$0x3FB6]  }
0x2e: {  	s3 =	simm.s32 @!p0 $0x1082;
	s9 =	sld [smem:$0x3FB7]  }
0x2f: {  	lr =	sadd.s32 s0, s3;
	s0 =	sld [smem:$0x3FAE]  }
0x30: {  	s3 =	sld [smem:$0x3FB1]  }
0x31: {  	[smem:$0x3FBA] =	sst s10  }
0x32: {  	s10 =	sld [smem:$0x3FB8];
	_ =	sdelay $0x3  }
0x33: {  	p0 =	seq.s32 s10, $0x1;
	s10 =	sld [smem:$0x3FBA];
	_ =	sdelay $0x3  }
0x34: {  	[smem:$0x3FBA] =	sst s10  }
0x35: {  	s10 =	sld [smem:$0x3FB9];
	_ =	sdelay $0x3  }
0x36: {  	p1 =	seq.s32 s10, $0x1;
	s10 =	sld [smem:$0x3FBA];
	_ =	sdelay $0x3  }
0x37: {  	[smem:$0x3FBA] =	sst s10  }
0x38: {  	s10 =	sld [smem:$0x3FBB]  }
0x39: {  	_ = 	snop;
	(pc) =	sbr.ind lr, $3  }
0x3a: {  	_ = 	snop  }
0x3b: {  	_ = 	snop  }
0x3c: {  	p2 =	seq.s32 s10, $0x1;
	s10 =	sld [smem:$0x3FBA]  }
0x3d: {  	_ =	shalt  }
0x3e: {  	_ =	shalt  }
0x3f: {  	_ =	shalt  }
0x40: {  	_ =	shalt  }
0x41: {  	_ =	shalt  }
0x42: {  	_ =	shalt  }
0x43: {  	_ =	shalt  }
0x44: {  	_ =	shalt  }
0x45: {  	_ =	shalt  }
0x46: {  	_ =	shalt  }
0x47: {  	_ =	shalt  }
0x48: {  	_ =	shalt  }
0x49: {  	_ =	shalt  }
0x4a: {  	_ =	shalt  }
0x4b: {  	_ =	shalt  }
0x4c: {  	_ =	shalt  }
0x4d: {  	_ =	shalt  }
0x4e: {  	_ =	shalt  }
0x4f: {  	_ =	shalt  }
0x50: {  	_ =	shalt  }
0x51: {  	_ =	shalt  }
0x52: {  	_ =	shalt  }
0x53: {  	_ =	shalt  }
0x54: {  	_ =	shalt  }
0x55: {  	_ =	shalt  }
0x56: {  	_ =	shalt  }
0x57: {  	_ =	shalt  }
0x58: {  	_ =	shalt  }
0x59: {  	_ =	shalt  }
0x5a: {  	_ =	shalt  }
0x5b: {  	_ =	shalt  }
0x5c: {  	_ =	shalt  }
0x5d: {  	_ =	shalt  }
0x5e: {  	_ =	shalt  }
0x5f: {  	_ =	shalt  }
0x60: {  	_ =	shalt  }
0x61: {  	_ =	shalt  }
0x62: {  	_ =	shalt  }
0x63: {  	_ =	shalt  }
0x64: {  	_ =	shalt  }
0x65: {  	_ =	shalt  }
0x66: {  	_ =	shalt  }
0x67: {  	_ =	shalt  }
0x68: {  	_ =	shalt  }
0x69: {  	_ =	shalt  }
0x6a: {  	_ =	shalt  }
0x6b: {  	_ =	shalt  }
0x6c: {  	_ =	shalt  }
0x6d: {  	_ =	shalt  }
0x6e: {  	_ =	shalt  }
0x6f: {  	_ =	shalt  }
0x70: {  	_ =	shalt  }
0x71: {  	_ =	shalt  }
0x72: {  	_ =	shalt  }
0x73: {  	_ =	shalt  }
0x74: {  	_ =	shalt  }
0x75: {  	_ =	shalt  }
0x76: {  	_ =	shalt  }
0x77: {  	_ =	shalt  }
0x78: {  	_ =	shalt  }
0x79: {  	_ =	shalt  }
0x7a: {  	_ =	shalt  }
0x7b: {  	_ =	shalt  }
0x7c: {  	_ =	shalt  }
0x7d: {  	_ =	shalt  }
0x7e: {  	_ =	shalt  }
0x7f: {  	_ =	shalt  }
0x80: {  	_ =	shalt  }
0x81: {  	_ =	shalt  }
0x82: {  	_ =	shalt  }
0x83: {  	_ =	shalt  }
0x84: {  	_ =	shalt  }
0x85: {  	_ =	shalt  }
0x86: {  	_ =	shalt  }
0x87: {  	_ =	shalt  }
.Lfunc_end0:
.L_simem_size_0:
called_computation_lowered:
.L_overlay_start_0:
0x88: {  	s2 =	sld [smem:$0x3FD9]  }
0x89: {  	s3 =	sld [smem:$0x3FFE];
	_ =	sdelay $0x1  }
0x8a: {  	s1 =	srdreg.scid  }
0x8b: {  	s0 =	sand.u32 $0x1, s1  }
0x8c: {  	s17 =	sshll.u32 s0, $0xA;
	s2 =	sadd.s32 s3, s2  }
0x8d: {  	s2 =	sadd.s32 s2, s17  }
0x8e: {  	[smem:$0x3FC6] =	sst s2  }
0x8f: {  	_ = 	snop  }
0x90: {  	s2 =	sld [smem:$0x3FC8]  }
0x91: {  	s18 =	sld [smem:$0x3FD0];
	(tm) =	ssettm $0x1  }
0x92: {  	s4 =	sld [smem:$0x3FFB];
	_ =	sdelay $0x3  }
0x93: {  	_ =	strace s4  }
0x94: {  	s4 =	sld [smem:$0x3FFC];
	_ =	sdelay $0x3  }
0x95: {  	_ =	strace s4  }
0x96: {  	s4 =	sld [smem:$0x3FFD];
	_ =	sdelay $0x3  }
0x97: {  	_ =	strace s4  }
0x98: {  	_ =	strace $0x8FFFFFFF  }
0x99: {  	s19 =	sld [smem:$0x3FDB];
	_ =	sdelay $0x1  }
0x9a: {  	s5 =	simm.s32 $_scs_section_size  }
0x9b: {  	s6 =	simm.s32 $_size__tile_overlayer_lowered;
	s7 =	simm.s32 $_tile_overlayer_lowered  }
0x9c: {  	s22 =	simm.s32 $0x1BFF;
	s21 =	sshll.u32 s7, $0x1;
	s4 =	sadd.s32 s5, s19  }
0x9d: {  	s8 =	simm.s32 $0x0;
	s20 =	sshll.u32 s6, $0x1;
	s6 =	sadd.s32 s21, s4  }
0x9e: {  	[timem:s8], [sflag:s22] =	dma.local [hbm:s6], s20  }
0x9f: {  	_ =	swait.ge [sflag:s22], s20  }
0xa0: {  	s5 =	ssub.s32 $0x0, s20;
	[sflag:s22] =	ssyncset.done $0x0  }
0xa1: {  	[sflag:s22] =	ssyncadd.s32 s5;
	_ =	sdelay $0x1  }
0xa2: {  	s23 =	simm.s32 $0x1B8B  }
0xa3: {  	_ =	swait.ge [sflag:s23], $0x1  }
0xa4: {  	[sflag:s23] =	ssyncset.done $0x0  }
0xa5: {  	s25 =	simm.s32 $0x1B8E;
	s24 =	sld [smem:$0x3FFE];
	[sflag:s23] =	ssyncadd.s32 $0xFFFFFFFF  }
0xa6: {  	s26 =	simm.s32 $execute0_lowered;
	[smem:$0x3FD2] =	sst s25  }
0xa7: {  	s6 =	sshll.u32 s26, $0x1;
	_ =	strace $0x80000046;
	[dreg:$0x1] =	wrdreg $0xFFFFFFFF  }
0xa8: {  	s28 =	simm.s32 $_size_execute0_lowered;
	s4 =	sadd.s32 s4, s6;
	[dreg:$0x0] =	wrdreg $0x0  }
0xa9: {  	s6 =	sshll.u32 s28, $0x1;
	[dreg:$0x2] =	wrdreg s4  }
0xaa: {  	[dreg:$0x3] =	wrdreg s6  }
0xab: {  	[dreg:$0x4] =	wrdreg $0xC0  }
0xac: {  	_ =	task [dreg:s8], $0x5FFFF  }
0xad: {  	[dreg:$0x1] =	wrdreg $0xFFFFFFFF  }
0xae: {  	[dreg:$0x0] =	wrdreg $0x60  }
0xaf: {  	[dreg:$0x2] =	wrdreg s18  }
0xb0: {  	[dreg:$0x3] =	wrdreg s2  }
0xb1: {  	[dreg:$0x4] =	wrdreg s24  }
0xb2: {  	[dreg:$0x5] =	wrdreg $0x9  }
0xb3: {  	_ =	task.clear_ibuf [dreg:s8], $0x6FFFF;
	_ =	strace $0x90000046  }
0xb4: {  	s29 =	simm.s32 $0x9;
	_ =	strace $0x80000048  }
0xb5: {  	_ =	swait.ge [sflag:s29], $0x1  }
0xb6: {  	[sflag:s29] =	ssyncadd.s32 $0xFFFFFFFF  }
0xb7: {  	_ =	strace $0x90000048  }
0xb8: {  	_ =	sfence  }
0xb9: {  	s30 =	sld [smem:$0x0];
	_ =	sdelay $0x2  }
0xba: {  	s31 =	sshll.u32 s1, $0xD;
	s1 =	sshrl.u32 s1, $0x2  }
0xbb: {  	s3 =	sand.u32 $0x4000, s31;
	s1 =	sadd.s32 s1, s30  }
0xbc: {  	s0 =	sor.u32 s3, s0;
	s1 =	sshll.u32 s1, $0x11  }
0xbd: {  	s0 =	sor.u32 s1, s0  }
0xbe: {  	s0 =	sadd.s32 $0x8F2B, s0  }
0xbf: {  	[sflag:s0] =	ssyncadd.remote.s32 $0x1  }
0xc0: {  	_ =	sfence.sel $0xFFFF  }
0xc1: {  	[dreg:$0x0] =	wrdreg $0xFFFFFFFF;
	(pc) =	sbr.abs _section_cstart, $3  }
0xc2: {  	[dreg:$0x1] =	wrdreg $0xFFFFFFFF  }
0xc3: {  	_ =	task.clear_ibuf [dreg:s8], $0x2FFFF;
	_ =	strace $0x9FFFFFFF  }
0xc4: {  	(tm) =	ssettm $0x7FFFFFFF  }
0xc5: {  	_ =	shalt  }
tec
execute0_lowered:
.L_overlay_start_1:
0x0: {  	(tag) =	ssettag $0x1  }
0x1: {  	s0 =	srdreg.scid  }
0x2: {  	s5 =	sand.u32 $0x1, s0;
	s0 =	stileid.u32  }
0x3: {  	s6 =	sshll.u32 s0, $0x1;
	s7 =	ssub.s32 $0x0, s5  }
0x4: {  	p0 =	sne.s32 s6, s7  }
.Ltmp0:
0x5: {  	_ = 	snop;
	(pc) =	sbr.rel @p0 .LBB2_5-.Ltmp0, $4  }
0x6: {  	s1 =	rddreg [dreg:$0x0]  }
0x7: {  	s3 =	rddreg [dreg:$0x1]  }
0x8: {  	s4 =	rddreg [dreg:$0x2]  }
0x9: {  	s2 =	rddreg [dreg:$0x3];
	_ =	strace $0x80000047  }
0xa: {  	s5 =	ssub.s32 $0x2, s5;
	s4 =	sadd.s32 $0x400, s4  }
0xb: {  	s7 =	simm.s32 $0x2;
	s8 =	simm.s32 $0x64;
	s9 =	simm.s32 $0x100  }
0xc: {  	s10 =	simm.s32 $0x80;
	s11 =	simm.s32 $0x3500;
	s6 =	sshrl.u32 s5, $0x1  }
0xd: {  	s12 =	simm.s32 $0x1;
	s13 =	simm.s32 $0x6900;
	s5 =	ssub.s32 s5, s6  }
0xe: {  	s14 =	simm.s32 $0x0;
	s6 =	simm.s32 $0x0;
	s5 =	smax.u32 s5, $0x1  }
.LBB2_2:
0xf: {  	[tilespmem:s6], [sflag:$0x2] =	stream.linear.gather [hbm4b:s1+s6], $0x100, $0x38;
	[tilespmem:$0x6980] =	vst v63  }
0x10: {  	_ =	swait.ge [sflag:s7], $0x100  }
0x11: {  	[sflag:s7] =	ssyncset.done $0x0  }
0x12: {  	[sflag:s7] =	ssyncadd.s32 $0xFFFFFF00  }
0x13: {  	[tilespmem:s9], [sflag:$0x1] =	stream.indirect.gather [hbm4b:s3+s8], $0x80, s6, s8, $0xb8;
	[tilespmem:$0x6980] =	vst v63  }
0x14: {  	_ = 	snop  }
0x15: {  	[tilespmem:s11], [sflag:$0x1] =	stream.indirect.gather [hbm4b:s3+s8], $0x80, s10, s8, $0xb8;
	[tilespmem:$0x6980] =	vst v63  }
0x16: {  	_ =	swait.ge [sflag:s12], $0x3200  }
0x17: {  	[sflag:s12] =	ssyncset.done $0x0  }
0x18: {  	[sflag:s12] =	ssyncadd.s32 $0xFFFFCE00  }
0x19: {  	_ =	swait.ge [sflag:s12], $0x3200  }
0x1a: {  	[sflag:s12] =	ssyncset.done $0x0  }
0x1b: {  	s15 =	simm.s32 $0x0;
	[sflag:s12] =	ssyncadd.s32 $0xFFFFCE00  }
0x1c: {  	v2 =	vld [tilespmem:s15+$0x3500]  }
0x1d: {  	v5 =	vld [tilespmem:s15+$0x3510]  }
0x1e: {  	v3 =	vld [tilespmem:s15+$0x3520]  }
0x1f: {  	v4 =	vld [tilespmem:s15+$0x3530]  }
0x20: {  	v0 =	vld [tilespmem:s15+$0x3540]  }
0x21: {  	v1 =	vld [tilespmem:s15+$0x3550]  }
0x22: {  	v19 =	vld [tilespmem:s15+$0x100]  }
0x23: {  	v20 =	vld [tilespmem:s15+$0x110]  }
0x24: {  	v18 =	vld [tilespmem:s15+$0x120]  }
0x25: {  	v17 =	vld [tilespmem:s15+$0x130]  }
0x26: {  	v10 =	vimm.f32 $0.0e+00;
	v11 =	vimm.f32 $0.0e+00;
	v14 =	vld [tilespmem:s15+$0x140]  }
0x27: {  	v13 =	vimm.f32 $0.0e+00;
	v12 =	vimm.f32 $0.0e+00;
	v8 =	vimm.f32 $0.0e+00;
	v15 =	vld [tilespmem:s15+$0x150]  }
0x28: {  	s16 =	simm.s32 $0x200;
	v9 =	vimm.f32 $0.0e+00;
	v7 =	vimm.f32 $0.0e+00;
	v6 =	vimm.f32 $0.0e+00;
	v16 =	vld [tilespmem:s15+$0x160]  }
.LBB2_3:
0x29: {  	p0 =	sne.s32 s16, $0xC600;
	v10 =	vadd.f32 v19, v10;
	v11 =	vadd.f32 v20, v11;
	v19 =	vld [tilespmem:s15+$0x170]  }
0x2a: {  	v13 =	vadd.f32 v18, v13;
	v12 =	vadd.f32 v17, v12;
	v17 =	vld [tilespmem:s15+$0x3560]  }
0x2b: {  	v10 =	vadd.f32 v2, v10;
	v11 =	vadd.f32 v5, v11;
	v18 =	vld [tilespmem:s15+$0x3570];
	s15 =	sshra.s32 s16, $0x2  }
0x2c: {  	v13 =	vadd.f32 v3, v13;
	v2 =	vld [tilespmem:s15+$0x3500];
	v12 =	vadd.f32 v4, v12  }
0x2d: {  	v8 =	vadd.f32 v14, v8;
	v9 =	vadd.f32 v15, v9;
	v5 =	vld [tilespmem:s15+$0x3510]  }
0x2e: {  	v7 =	vadd.f32 v16, v7;
	v3 =	vld [tilespmem:s15+$0x3520];
	v6 =	vadd.f32 v19, v6  }
0x2f: {  	v8 =	vadd.f32 v0, v8;
	v9 =	vadd.f32 v1, v9;
	v4 =	vld [tilespmem:s15+$0x3530]  }
0x30: {  	v7 =	vadd.f32 v17, v7;
	v0 =	vld [tilespmem:s15+$0x3540];
	v6 =	vadd.f32 v18, v6  }
0x31: {  	v1 =	vld [tilespmem:s15+$0x3550]  }
0x32: {  	v19 =	vld [tilespmem:s15+$0x100]  }
0x33: {  	v20 =	vld [tilespmem:s15+$0x110]  }
.Ltmp1:
0x34: {  	v18 =	vld [tilespmem:s15+$0x120];
	(pc) =	sbr.rel @p0 .LBB2_3-.Ltmp1, $4  }
0x35: {  	v17 =	vld [tilespmem:s15+$0x130]  }
0x36: {  	v14 =	vld [tilespmem:s15+$0x140]  }
0x37: {  	v15 =	vld [tilespmem:s15+$0x150]  }
0x38: {  	s16 =	sadd.s32 $0x200, s16;
	v16 =	vld [tilespmem:s15+$0x160]  }
0x39: {  	v10 =	vadd.f32 v19, v10  }
0x3a: {  	v11 =	vadd.f32 v20, v11  }
0x3b: {  	v54 =	vld [tilespmem:s15+$0x170];
	v13 =	vadd.f32 v18, v13;
	v2 =	vadd.f32 v2, v10  }
0x3c: {  	v55 =	vld [tilespmem:s15+$0x3560];
	v56 =	vadd.f32 v17, v12;
	v5 =	vadd.f32 v5, v11  }
0x3d: {  	v57 =	vld [tilespmem:s15+$0x3570];
	v3 =	vadd.f32 v3, v13;
	v8 =	vadd.f32 v14, v8;
	[tilespmem:$0x6900] =	vst v2  }
0x3e: {  	v58 =	vadd.f32 v4, v56;
	v59 =	vadd.f32 v15, v9;
	[tilespmem:$0x6910] =	vst v5  }
0x3f: {  	v60 =	vadd.f32 v16, v7;
	v0 =	vadd.f32 v0, v8;
	[tilespmem:$0x6920] =	vst v3  }
0x40: {  	v61 =	vadd.f32 v54, v6;
	v1 =	vadd.f32 v1, v59;
	[tilespmem:$0x6930] =	vst v58  }
0x41: {  	v62 =	vadd.f32 v55, v60;
	[tilespmem:$0x6940] =	vst v0  }
0x42: {  	s14 =	sadd.s32 $0x1, s14;
	v63 =	vadd.f32 v57, v61;
	[tilespmem:$0x6950] =	vst v1  }
0x43: {  	p0 =	sne.s32 s14, s5;
	[tilespmem:$0x6960] =	vst v62  }
.Ltmp2:
0x44: {  	[tilespmem:$0x6970] =	vst v63;
	(pc) =	sbr.rel @p0 .LBB2_2-.Ltmp2, $4  }
0x45: {  	[hbm4b:s4+s6] =	stream.linear.scatter [tilespmem:s13], [sflag:$0x2], $0x80, $0x38;
	[tilespmem:$0x6980] =	vst v63  }
0x46: {  	_ =	swait.ge [sflag:s7], $0x80  }
0x47: {  	[sflag:s7] =	ssyncset.done $0x0  }
0x48: {  	[sflag:s7] =	ssyncadd.s32 $0xFFFFFF80  }
.LBB2_5:
0x49: {  	_ =	sfence.sel $0x180000  }
0x4a: {  	[bflag:$0x0] =	sbarrier.arrive $0xFFFF  }
0x4b: {  	p0 =	sne.s32 s0, $0x0;
	_ =	strace $0x90000047  }
0x4c: {  	s0 =	sadd.s32 @!p0 $0x100000, s2;
	[bflag:$0x2] =	sbarrier.arrive $0xFFFF  }
0x4d: {  	[sflag:s0] =	ssyncadd.tile.s32 @!p0 $0x1;
	_ =	shalt  }
.Lfunc_end2:
_tile_overlayer_lowered:
.L_overlay_start_2:
0x4e: {  	(tag) =	ssettag $0x2  }
0x4f: {  	s0 =	rddreg [dreg:$0x0];
	s2 =	stileid.u32  }
0x50: {  	s1 =	rddreg [dreg:$0x1];
	p0 =	sne.s32 s2, $0x0  }
0x51: {  	s3 =	rddreg [dreg:$0x2];
	[bflag:$0x3] =	sbarrier.arrive $0xFFFF;
	s2 =	simm.s32 @!p0 $0x1C02  }
0x52: {  	[timem:s3], [sflag:s2] =	dma.local @!p0 [hbm:s0], s1  }
0x53: {  	s0 =	simm.s32 @!p0 $0x2  }
0x54: {  	_ =	swait.ge @!p0 [sflag:s0], s1  }
0x55: {  	s1 =	ssub.s32 @!p0 $0x0, s1;
	[sflag:s0] =	ssyncset.done @!p0 $0x0  }
0x56: {  	[sflag:s0] =	ssyncadd.s32 @!p0 s1  }
0x57: {  	[bflag:$0x3] =	sbarrier.arrive $0xFFFF  }
0x58: {  	_ =	shalt  }

</sc_bundles>
